<compile_context>
chip_gen: v7x
topology: tpu7x:2x2x1
jax: 0.10.2.dev20260603
libtpu: 0.0.44.dev20260713+nightly
codegen_flags: <defaults>
</compile_context>

<pallas_src>
import functools

import jax
import jax.numpy as jnp
from jax import lax
from jax.experimental import pallas as pl
from jax.experimental.pallas import tpu as pltpu
from jax.experimental.pallas import tpu_sc as plsc

HID = 128
K = 512


def _conv(x, w, b, stride, pad):
    y = lax.conv_general_dilated(
        x, w, (stride, stride), ((pad, pad), (pad, pad)),
        dimension_numbers=('NCHW', 'OIHW', 'NCHW'))
    return y + b[None, :, None, None]


def _conv_t(x, w, b, stride, pad):
    kh, kw = w.shape[2], w.shape[3]
    w_f = jnp.transpose(jnp.flip(w, (2, 3)), (1, 0, 2, 3))
    y = lax.conv_general_dilated(
        x, w_f, (1, 1), ((kh - 1 - pad, kh - 1 - pad), (kw - 1 - pad, kw - 1 - pad)),
        lhs_dilation=(stride, stride), dimension_numbers=('NCHW', 'OIHW', 'NCHW'))
    return y + b[None, :, None, None]


def _resblock(x, w1, b1, w2, b2):
    h = _conv(jax.nn.relu(x), w1, b1, 1, 1)
    h = _conv(jax.nn.relu(h), w2, b2, 1, 0)
    return x + h



_TILE_S = 3136


def _vq_argmin_body(ze_ref, ze2_ref, emb_ref, idx_ref):
    ze = ze_ref[0]
    emb = emb_ref[...]
    cross = jnp.dot(emb, ze)
    e2 = jnp.sum(emb * emb, axis=1)
    dist = (ze2_ref[0] + e2[:, None]) - 2.0 * cross
    minv = jnp.min(dist, axis=0, keepdims=True)
    kio = lax.broadcasted_iota(jnp.int32, (K, _TILE_S), 0)
    idx_ref[0, 0, :] = jnp.min(jnp.where(dist == minv, kio, K), axis=0)


def _vq_argmin(ze_mat, ze2_mat, emb):
    return pl.pallas_call(
        _vq_argmin_body,
        grid=(2,),
        in_specs=[
            pl.BlockSpec((1, HID, _TILE_S), lambda b: (b, 0, 0)),
            pl.BlockSpec((1, 1, _TILE_S), lambda b: (b, 0, 0)),
            pl.BlockSpec((K, HID), lambda b: (0, 0)),
        ],
        out_specs=pl.BlockSpec((1, 1, _TILE_S), lambda b: (b, 0, 0)),
        out_shape=jax.ShapeDtypeStruct((2, 1, 3136), jnp.int32),
    )(ze_mat, ze2_mat, emb)



_B_PAD = 6400
_NW = 32
_B_PER_W = _B_PAD // _NW


def _make_sc_gather():
    mesh = plsc.VectorSubcoreMesh(core_axis_name="c", subcore_axis_name="s")

    @functools.partial(
        pl.kernel, mesh=mesh,
        out_type=jax.ShapeDtypeStruct((_B_PAD, HID), jnp.float32),
        scratch_types=[
            pltpu.VMEM((_B_PER_W,), jnp.int32),
            pltpu.VMEM((_B_PER_W, HID), jnp.float32),
            pltpu.SemaphoreType.DMA,
        ],
    )
    def gather_k(table_hbm, idx_hbm, out_hbm, idx_v, rows_v, sem):
        wid = lax.axis_index("s") * 2 + lax.axis_index("c")
        base = wid * _B_PER_W
        pltpu.sync_copy(idx_hbm.at[pl.ds(base, _B_PER_W)], idx_v)
        pltpu.async_copy(table_hbm.at[idx_v], rows_v, sem).wait()
        pltpu.sync_copy(rows_v, out_hbm.at[pl.ds(base, _B_PER_W)])

    return gather_k


_sc_gather_cache = []


def _sc_gather(table, idx):
    if not _sc_gather_cache:
        _sc_gather_cache.append(_make_sc_gather())
    return _sc_gather_cache[0](table, idx)



def kernel(x, enc_w0, enc_b0, enc_w1, enc_b1, enc_w2, enc_b2, erb1_w1, erb1_b1, erb1_w2, erb1_b2, erb2_w1, erb2_b1, erb2_w2, erb2_b2, emb, dec_w0, dec_b0, drb1_w1, drb1_b1, drb1_w2, drb1_b2, drb2_w1, drb2_b1, drb2_w2, drb2_b2, dct_w1, dct_b1, dct_w2, dct_b2):
    ze = jax.nn.relu(_conv(x, enc_w0, enc_b0, 2, 1))
    ze = jax.nn.relu(_conv(ze, enc_w1, enc_b1, 2, 1))
    ze = _conv(ze, enc_w2, enc_b2, 1, 1)
    ze = _resblock(ze, erb1_w1, erb1_b1, erb1_w2, erb1_b2)
    ze = _resblock(ze, erb2_w1, erb2_b1, erb2_w2, erb2_b2)

    ze2 = jnp.sum(ze * ze, axis=1)
    ze_mat = ze.reshape(2, HID, 3136)
    ze2_mat = ze2.reshape(2, 1, 3136)
    idx = _vq_argmin(ze_mat, ze2_mat, emb)
    idx_flat = idx.reshape(6272)
    idx_pad = jnp.concatenate(
        [idx_flat, jnp.zeros((_B_PAD - 6272,), jnp.int32)])
    zq_rows = _sc_gather(emb, idx_pad)
    zq = jnp.transpose(
        zq_rows[:6272].reshape(2, 3136, HID), (0, 2, 1)).reshape(2, HID, 56, 56)

    dec_in = ze + lax.stop_gradient(zq - ze)
    h = _conv(dec_in, dec_w0, dec_b0, 1, 1)
    h = _resblock(h, drb1_w1, drb1_b1, drb1_w2, drb1_b2)
    h = _resblock(h, drb2_w1, drb2_b1, drb2_w2, drb2_b2)
    h = jax.nn.relu(_conv_t(h, dct_w1, dct_b1, 2, 1))
    x_hat = _conv_t(h, dct_w2, dct_b2, 2, 1)
    return (x_hat, ze, zq)

# --- scband reference (transcript-rebuilt; emitter-appended) ---
"""Pipeline reference for scband-vqvae-31233002176946 (READ-ONLY COPY).

The authoritative reference and input builder live on the scoring server;
editing this copy changes nothing except your own understanding.
"""

import jax, jax.numpy as jnp
import numpy as np
from jax import lax

HID = 128
K = 512
IN_DIM = 3

def _conv(x, w, b, stride, pad):
    y = lax.conv_general_dilated(x, w, (stride, stride), ((pad, pad), (pad, pad)), dimension_numbers=('NCHW', 'OIHW', 'NCHW'))
    return y + b[None, :, None, None]

def _conv_t(x, w, b, stride, pad):
    kh, kw = w.shape[2], w.shape[3]
    w_f = jnp.transpose(jnp.flip(w, (2, 3)), (1, 0, 2, 3))
    y = lax.conv_general_dilated(x, w_f, (1, 1), ((kh - 1 - pad, kh - 1 - pad), (kw - 1 - pad, kw - 1 - pad)), lhs_dilation=(stride, stride), dimension_numbers=('NCHW', 'OIHW', 'NCHW'))
    return y + b[None, :, None, None]

def _resblock(x, w1, b1, w2, b2):
    h = _conv(jax.nn.relu(x), w1, b1, 1, 1)
    h = _conv(jax.nn.relu(h), w2, b2, 1, 0)
    return x + h

def _forward(x, enc_w0, enc_b0, enc_w1, enc_b1, enc_w2, enc_b2, erb1_w1, erb1_b1, erb1_w2, erb1_b2, erb2_w1, erb2_b1, erb2_w2, erb2_b2, emb, dec_w0, dec_b0, drb1_w1, drb1_b1, drb1_w2, drb1_b2, drb2_w1, drb2_b1, drb2_w2, drb2_b2, dct_w1, dct_b1, dct_w2, dct_b2):
    ze = jax.nn.relu(_conv(x, enc_w0, enc_b0, 2, 1))
    ze = jax.nn.relu(_conv(ze, enc_w1, enc_b1, 2, 1))
    ze = _conv(ze, enc_w2, enc_b2, 1, 1)
    ze = _resblock(ze, erb1_w1, erb1_b1, erb1_w2, erb1_b2)
    ze = _resblock(ze, erb2_w1, erb2_b1, erb2_w2, erb2_b2)
    # VQ: ||e - z||^2 = ||z||^2 + ||e||^2 - 2 e.z  (algebraically identical to the
    # broadcasted sum((emb - ze)**2, dim=2) in the torch code, avoids [B,K,C,H,W] blowup)
    emb_c = lax.stop_gradient(emb)  # torch uses embedding.weight.data here
    ze2 = jnp.sum(ze * ze, axis=1)
    e2 = jnp.sum(emb_c * emb_c, axis=1)
    cross = jnp.einsum('bchw,kc->bkhw', ze, emb_c)
    dist = ze2[:, None, :, :] + e2[None, :, None, None] - 2.0 * cross
    nn_idx = jnp.argmin(dist, axis=1)
    zq = jnp.transpose(jnp.take(emb, nn_idx, axis=0), (0, 3, 1, 2))
    dec_in = ze + lax.stop_gradient(zq - ze)  # straight-through estimator
    h = _conv(dec_in, dec_w0, dec_b0, 1, 1)
    h = _resblock(h, drb1_w1, drb1_b1, drb1_w2, drb1_b2)
    h = _resblock(h, drb2_w1, drb2_b1, drb2_w2, drb2_b2)
    h = jax.nn.relu(_conv_t(h, dct_w1, dct_b1, 2, 1))
    x_hat = _conv_t(h, dct_w2, dct_b2, 2, 1)
    return (x_hat, ze, zq)

def setup_inputs(seed: int = 0):
    key = jax.random.key(seed)
    ks = jax.random.split(key, 40)
    def p(i, shape, scale):
        return jax.random.normal(ks[i], shape, dtype=jnp.float32) * scale
    d = {}
    d['x'] = jax.random.normal(ks[0], (2, IN_DIM, 224, 224), dtype=jnp.float32)
    d['enc_w0'] = p(1, (HID, IN_DIM, 4, 4), 0.1)
    d['enc_b0'] = jnp.zeros((HID,), jnp.float32)
    d['enc_w1'] = p(2, (HID, HID, 4, 4), 0.02)
    d['enc_b1'] = jnp.zeros((HID,), jnp.float32)
    d['enc_w2'] = p(3, (HID, HID, 3, 3), 0.03)
    d['enc_b2'] = jnp.zeros((HID,), jnp.float32)
    d['erb1_w1'] = p(4, (HID, HID, 3, 3), 0.03)
    d['erb1_b1'] = jnp.zeros((HID,), jnp.float32)
    d['erb1_w2'] = p(5, (HID, HID, 1, 1), 0.08)
    d['erb1_b2'] = jnp.zeros((HID,), jnp.float32)
    d['erb2_w1'] = p(6, (HID, HID, 3, 3), 0.03)
    d['erb2_b1'] = jnp.zeros((HID,), jnp.float32)
    d['erb2_w2'] = p(7, (HID, HID, 1, 1), 0.08)
    d['erb2_b2'] = jnp.zeros((HID,), jnp.float32)
    d['emb'] = jax.random.uniform(ks[8], (K, HID), jnp.float32, -1.0 / K, 1.0 / K)
    d['dec_w0'] = p(9, (HID, HID, 3, 3), 0.03)
    d['dec_b0'] = jnp.zeros((HID,), jnp.float32)
    d['drb1_w1'] = p(10, (HID, HID, 3, 3), 0.03)
    d['drb1_b1'] = jnp.zeros((HID,), jnp.float32)
    d['drb1_w2'] = p(11, (HID, HID, 1, 1), 0.08)
    d['drb1_b2'] = jnp.zeros((HID,), jnp.float32)
    d['drb2_w1'] = p(12, (HID, HID, 3, 3), 0.03)
    d['drb2_b1'] = jnp.zeros((HID,), jnp.float32)
    d['drb2_w2'] = p(13, (HID, HID, 1, 1), 0.08)
    d['drb2_b2'] = jnp.zeros((HID,), jnp.float32)
    d['dct_w1'] = p(14, (HID, HID, 4, 4), 0.02)
    d['dct_b1'] = jnp.zeros((HID,), jnp.float32)
    d['dct_w2'] = p(15, (HID, IN_DIM, 4, 4), 0.02)
    d['dct_b2'] = jnp.zeros((IN_DIM,), jnp.float32)
    return d

def reference(x, enc_w0, enc_b0, enc_w1, enc_b1, enc_w2, enc_b2, erb1_w1, erb1_b1, erb1_w2, erb1_b2, erb2_w1, erb2_b1, erb2_w2, erb2_b2, emb, dec_w0, dec_b0, drb1_w1, drb1_b1, drb1_w2, drb1_b2, drb2_w1, drb2_b1, drb2_w2, drb2_b2, dct_w1, dct_b1, dct_w2, dct_b2):
    return _forward(x, enc_w0, enc_b0, enc_w1, enc_b1, enc_w2, enc_b2, erb1_w1, erb1_b1, erb1_w2, erb1_b2, erb2_w1, erb2_b1, erb2_w2, erb2_b2, emb, dec_w0, dec_b0, drb1_w1, drb1_b1, drb1_w2, drb1_b2, drb2_w1, drb2_b1, drb2_w2, drb2_b2, dct_w1, dct_b1, dct_w2, dct_b2)

if __name__ == "__main__":
    import jax
    _d = setup_inputs()
    print(jax.jit(kernel)(*tuple(_d.values())))

</pallas_src>

<mosaic_0001>
#map = affine_map<(d0, d1) -> (0, 0)>
#map1 = affine_map<(d0, d1) -> (0)>
module attributes {stable_mosaic.version = 14 : i64} {
  func.func @gather_k(%arg0: i32, %arg1: i32, %arg2: memref<512x128xf32, #tpu.memory_space<hbm>>, %arg3: memref<6400xi32, #tpu.memory_space<hbm>>, %arg4: memref<6400x128xf32, #tpu.memory_space<hbm>>, %arg5: memref<200xi32, #tpu.memory_space<vmem>>, %arg6: memref<200x128xf32, #tpu.memory_space<vmem>>, %arg7: memref<!tpu.dma_semaphore, #tpu.memory_space<semaphore_mem>>) attributes {dimension_semantics = [#tpu.dimension_semantics<core_parallel>, #tpu.dimension_semantics<subcore_parallel>], iteration_bounds = array<i64: 2, 16>, scalar_prefetch = 0 : i64, scratch_operands = 3 : i64, tpu.core_type = #tpu.core_type<sc_vector_subcore>, window_params = [{transform_indices = #map}, {transform_indices = #map1}, {transform_indices = #map}]} {
    %mul3A = arith.constant 2 : i32
    %mul3A_0 = arith.muli %arg1, %mul3A : i32
    %add3A = arith.addi %mul3A_0, %arg0 : i32
    %mul3A_1 = arith.constant 200 : i32
    %mul3A_2 = arith.muli %add3A, %mul3A_1 : i32
    "tpu.region"() ({
      %run_scoped3A = tpu.sem_alloc : memref<!tpu.dma_semaphore, #tpu.memory_space<semaphore_mem>>
      %dma_start3A_7 = tpu.memref_slice %arg3[%mul3A_2] : memref<6400xi32, #tpu.memory_space<hbm>> -> memref<200xi32, #tpu.memory_space<hbm>>
      %dma_start3A_8 = tpu.memref_slice %arg3[%mul3A_2] : memref<6400xi32, #tpu.memory_space<hbm>> -> memref<200xi32, #tpu.memory_space<hbm>>
      tpu.enqueue_dma source(%dma_start3A_8 : memref<200xi32, #tpu.memory_space<hbm>>) target(%arg5 : memref<200xi32, #tpu.memory_space<vmem>>) target_semaphore(%run_scoped3A : memref<!tpu.dma_semaphore, #tpu.memory_space<semaphore_mem>>)
      %dma_wait3A_9 = tpu.memref_slice %arg3[%mul3A_2] : memref<6400xi32, #tpu.memory_space<hbm>> -> memref<200xi32, #tpu.memory_space<hbm>>
      %dma_wait3A_10 = tpu.memref_slice %arg3[%mul3A_2] : memref<6400xi32, #tpu.memory_space<hbm>> -> memref<200xi32, #tpu.memory_space<hbm>>
      tpu.wait_dma2 semaphore(%run_scoped3A : memref<!tpu.dma_semaphore, #tpu.memory_space<semaphore_mem>>) src(%dma_wait3A_10 : memref<200xi32, #tpu.memory_space<hbm>>) dst(%arg5 : memref<200xi32, #tpu.memory_space<vmem>>)
      tpu.yield
    }) : () -> ()
    %dma_start3A = arith.constant 0 : i32
    %dma_start3A_3 = arith.constant 0 : i32
    %dma_start3A_4 = tpu.memref_slice %arg2[%dma_start3A, %dma_start3A_3] : memref<512x128xf32, #tpu.memory_space<hbm>> -> memref<512x128xf32, #tpu.memory_space<hbm>>
    tpu.enqueue_indirect_dma source(%dma_start3A_4 : memref<512x128xf32, #tpu.memory_space<hbm>>) target(%arg6 : memref<200x128xf32, #tpu.memory_space<vmem>>) offsets(%arg5 : memref<200xi32, #tpu.memory_space<vmem>>) semaphore(%arg7 : memref<!tpu.dma_semaphore, #tpu.memory_space<semaphore_mem>>)
    %dma_wait3A = arith.constant 0 : i32
    %dma_wait3A_5 = arith.constant 0 : i32
    %dma_wait3A_6 = tpu.memref_slice %arg2[%dma_wait3A, %dma_wait3A_5] : memref<512x128xf32, #tpu.memory_space<hbm>> -> memref<512x128xf32, #tpu.memory_space<hbm>>
    tpu.wait_indirect_dma semaphore(%arg7 : memref<!tpu.dma_semaphore, #tpu.memory_space<semaphore_mem>>) src(%dma_wait3A_6 : memref<512x128xf32, #tpu.memory_space<hbm>>) dst(%arg6 : memref<200x128xf32, #tpu.memory_space<vmem>>)
    "tpu.region"() ({
      %run_scoped3A = tpu.sem_alloc : memref<!tpu.dma_semaphore, #tpu.memory_space<semaphore_mem>>
      %dma_start3A_7 = arith.constant 0 : i32
      %dma_start3A_8 = tpu.memref_slice %arg4[%mul3A_2, %dma_start3A_7] : memref<6400x128xf32, #tpu.memory_space<hbm>> -> memref<200x128xf32, #tpu.memory_space<hbm>>
      %dma_start3A_9 = arith.constant 0 : i32
      %dma_start3A_10 = tpu.memref_slice %arg4[%mul3A_2, %dma_start3A_9] : memref<6400x128xf32, #tpu.memory_space<hbm>> -> memref<200x128xf32, #tpu.memory_space<hbm>>
      tpu.enqueue_dma source(%arg6 : memref<200x128xf32, #tpu.memory_space<vmem>>) target(%dma_start3A_10 : memref<200x128xf32, #tpu.memory_space<hbm>>) target_semaphore(%run_scoped3A : memref<!tpu.dma_semaphore, #tpu.memory_space<semaphore_mem>>)
      %dma_wait3A_11 = arith.constant 0 : i32
      %dma_wait3A_12 = tpu.memref_slice %arg4[%mul3A_2, %dma_wait3A_11] : memref<6400x128xf32, #tpu.memory_space<hbm>> -> memref<200x128xf32, #tpu.memory_space<hbm>>
      %dma_wait3A_13 = arith.constant 0 : i32
      %dma_wait3A_14 = tpu.memref_slice %arg4[%mul3A_2, %dma_wait3A_13] : memref<6400x128xf32, #tpu.memory_space<hbm>> -> memref<200x128xf32, #tpu.memory_space<hbm>>
      tpu.wait_dma2 semaphore(%run_scoped3A : memref<!tpu.dma_semaphore, #tpu.memory_space<semaphore_mem>>) src(%arg6 : memref<200x128xf32, #tpu.memory_space<vmem>>) dst(%dma_wait3A_14 : memref<200x128xf32, #tpu.memory_space<hbm>>)
      tpu.yield
    }) : () -> ()
    return
  }
}

module attributes {stable_mosaic.version = 14 : i64} {
  func.func @_vq_argmin_body(%arg0: i32, %arg1: memref<1x128x3136xf32, #tpu.memory_space<vmem>>, %arg2: memref<1x1x3136xf32, #tpu.memory_space<vmem>>, %arg3: memref<512x128xf32, #tpu.memory_space<vmem>>, %arg4: memref<1x1x3136xi32, #tpu.memory_space<vmem>>) attributes {dimension_semantics = [#tpu.dimension_semantics<arbitrary>], iteration_bounds = array<i64: 2>, scalar_prefetch = 0 : i64, scratch_operands = 0 : i64, tpu.core_type = #tpu.core_type<tc>, window_params = [{transform_indices = @transform_0, window_bounds = array<i64: 1, 128, 3136>}, {transform_indices = @transform_1, window_bounds = array<i64: 1, 1, 3136>}, {pipeline_mode = #tpu.pipeline_mode<synchronous>, transform_indices = @transform_2, window_bounds = array<i64: 512, 128>}, {transform_indices = @transform_3, window_bounds = array<i64: 1, 1, 3136>}]} {
    %get3A = arith.constant 0 : index
    %get3A_0 = arith.constant 0 : index
    %get3A_1 = arith.constant 0 : index
    %get3A_2 = vector.load %arg1[%get3A, %get3A_0, %get3A_1] : memref<1x128x3136xf32, #tpu.memory_space<vmem>>, vector<1x128x3136xf32>
    %get3A_3 = vector.shape_cast %get3A_2 : vector<1x128x3136xf32> to vector<128x3136xf32>
    %get3A_4 = arith.constant 0 : index
    %get3A_5 = arith.constant 0 : index
    %get3A_6 = vector.load %arg3[%get3A_4, %get3A_5] : memref<512x128xf32, #tpu.memory_space<vmem>>, vector<512x128xf32>
    %dot_general3A = arith.constant dense<0.000000e+00> : vector<512x3136xf32>
    %dot_general3A_7 = tpu.matmul %get3A_6, %get3A_3, %dot_general3A {dimension_numbers = #tpu.dot_dimension_numbers<[1], [0], [0], [1], [0, 0, 1, 1], [], []>, transpose_lhs_hint = false} : vector<512x128xf32>, vector<128x3136xf32>, vector<512x3136xf32> -> vector<512x3136xf32>
    %mul3A = arith.mulf %get3A_6, %get3A_6 : vector<512x128xf32>
    %reduce_sum3A = arith.constant dense<0.000000e+00> : vector<512xf32>
    %reduce_sum3A_8 = vector.multi_reduction <add>, %mul3A, %reduce_sum3A [1] : vector<512x128xf32> to vector<512xf32>
    %get3A_9 = arith.constant 0 : index
    %get3A_10 = arith.constant 0 : index
    %get3A_11 = arith.constant 0 : index
    %get3A_12 = vector.load %arg2[%get3A_9, %get3A_10, %get3A_11] : memref<1x1x3136xf32, #tpu.memory_space<vmem>>, vector<1x1x3136xf32>
    %get3A_13 = vector.shape_cast %get3A_12 : vector<1x1x3136xf32> to vector<1x3136xf32>
    %broadcast_in_dim3A = vector.shape_cast %reduce_sum3A_8 : vector<512xf32> to vector<512x1xf32>
    %add3A = vector.broadcast %get3A_13 : vector<1x3136xf32> to vector<512x3136xf32>
    %add3A_14 = vector.broadcast %broadcast_in_dim3A : vector<512x1xf32> to vector<512x3136xf32>
    %add3A_15 = arith.addf %add3A, %add3A_14 : vector<512x3136xf32>
    %mul3A_16 = arith.constant 2.000000e+00 : f32
    %mul3A_17 = vector.broadcast %mul3A_16 : f32 to vector<512x3136xf32>
    %mul3A_18 = arith.mulf %mul3A_17, %dot_general3A_7 : vector<512x3136xf32>
    %sub3A = arith.subf %add3A_15, %mul3A_18 : vector<512x3136xf32>
    %reduce_min3A = arith.constant dense<0x7F800000> : vector<3136xf32>
    %reduce_min3A_19 = vector.multi_reduction <minimumf>, %sub3A, %reduce_min3A [0] : vector<512x3136xf32> to vector<3136xf32>
    %broadcast_in_dim3A_20 = vector.shape_cast %reduce_min3A_19 : vector<3136xf32> to vector<1x3136xf32>
    %iota3A = tpu.iota {dimensions = array<i32: 0>} : vector<512x3136xi32>
    %eq3A = vector.broadcast %broadcast_in_dim3A_20 : vector<1x3136xf32> to vector<512x3136xf32>
    %eq3A_21 = arith.cmpf oeq, %sub3A, %eq3A : vector<512x3136xf32>
    %jit3A = arith.constant 512 : i32
    %broadcast_in_dim3A_22 = vector.broadcast %jit3A : i32 to vector<512x3136xi32>
    %select_n3A = arith.select %eq3A_21, %iota3A, %broadcast_in_dim3A_22 : vector<512x3136xi1>, vector<512x3136xi32>
    %reduce_min3A_23 = arith.constant dense<2147483647> : vector<3136xi32>
    %reduce_min3A_24 = vector.multi_reduction <minsi>, %select_n3A, %reduce_min3A_23 [0] : vector<512x3136xi32> to vector<3136xi32>
    %swap3A = arith.constant 0 : index
    %swap3A_25 = arith.constant 0 : index
    %swap3A_26 = arith.constant 0 : index
    %swap3A_27 = vector.load %arg4[%swap3A, %swap3A_25, %swap3A_26] : memref<1x1x3136xi32, #tpu.memory_space<vmem>>, vector<1x1x3136xi32>
    %swap3A_28 = vector.shape_cast %swap3A_27 : vector<1x1x3136xi32> to vector<3136xi32>
    %swap3A_29 = vector.shape_cast %reduce_min3A_24 : vector<3136xi32> to vector<1x1x3136xi32>
    tpu.vector_store %arg4[%swap3A, %swap3A_25, %swap3A_26], %swap3A_29 {strides = array<i32>} : memref<1x1x3136xi32, #tpu.memory_space<vmem>>, vector<1x1x3136xi32>,
    return
  }
  func.func @transform_0(%arg0: i32) -> (i32, i32, i32) {
    %c0_i32 = arith.constant 0 : i32
    %c0_i32_0 = arith.constant 0 : i32
    %c0_i32_1 = arith.constant 0 : i32
    return %arg0, %c0_i32, %c0_i32_0 : i32, i32, i32
  }
  func.func @transform_1(%arg0: i32) -> (i32, i32, i32) {
    %c0_i32 = arith.constant 0 : i32
    %c0_i32_0 = arith.constant 0 : i32
    %c0_i32_1 = arith.constant 0 : i32
    return %arg0, %c0_i32, %c0_i32_0 : i32, i32, i32
  }
  func.func @transform_2(%arg0: i32) -> (i32, i32) {
    %c0_i32 = arith.constant 0 : i32
    %c0_i32_0 = arith.constant 0 : i32
    %c0_i32_1 = arith.constant 0 : i32
    return %c0_i32, %c0_i32_0 : i32, i32
  }
  func.func @transform_3(%arg0: i32) -> (i32, i32, i32) {
    %c0_i32 = arith.constant 0 : i32
    %c0_i32_0 = arith.constant 0 : i32
    %c0_i32_1 = arith.constant 0 : i32
    return %arg0, %c0_i32, %c0_i32_0 : i32, i32, i32
  }
}

</mosaic_0001>

<sc_bundles>
// kernel: kernel.4.cloned.1.call-start
scs
__scs_entry_jumppad:
0x0: {  	(pc) =	sbr.rel $0x88, $3  }
0x1: {  	(tag) =	ssettag $0x0;
	lr =	simm.s32 $0x1  }
0x2: {  	[smem:$0x3F83] =	sst lr;
	_ =	strace $0xD0000000  }
0x3: {  	_ = 	snop  }
0x4: {  	_ = 	snop  }
0x5: {  	_ = 	snop  }
0x6: {  	_ = 	snop  }
0x7: {  	_ = 	snop  }
__scs_overlays_trampoline_lowered:
0x8: {  	[smem:$0x3F92] =	sst s0  }
0x9: {  	[smem:$0x3F93] =	sst s1  }
0xa: {  	[smem:$0x3F94] =	sst s2  }
0xb: {  	[smem:$0x3F95] =	sst s3  }
0xc: {  	[smem:$0x3F96] =	sst s4  }
0xd: {  	[smem:$0x3F97] =	sst s5  }
0xe: {  	[smem:$0x3F98] =	sst s6  }
0xf: {  	[smem:$0x3F99] =	sst s7  }
0x10: {  	[smem:$0x3F9A] =	sst s8  }
0x11: {  	[smem:$0x3F9B] =	sst s9;
	s0 =	simm.s32 @!p0 $0x0  }
0x12: {  	s1 =	sld [smem:$0x3F81];
	s0 =	simm.s32 @p0 $0x1  }
0x13: {  	[smem:$0x3F9C] =	sst s0;
	s0 =	simm.s32 @!p1 $0x0  }
0x14: {  	s2 =	sld [smem:$0x3F80];
	s0 =	simm.s32 @p1 $0x1  }
0x15: {  	[smem:$0x3F9D] =	sst s0;
	s0 =	simm.s32 @!p2 $0x0  }
0x16: {  	s3 =	sld [smem:$0x3FDB];
	s0 =	simm.s32 @p2 $0x1  }
0x17: {  	s4 =	simm.s32 $0x1BF5;
	[smem:$0x3F9F] =	sst s0  }
0x18: {  	s0 =	sld [smem:$0x3F82];
	_ =	swait.ge [sflag:s4], $0x0  }
0x19: {  	s7 =	sld [smem:$0x3F83]  }
0x1a: {  	s8 =	sadd.s32 $0xFFFFE003, lr  }
0x1b: {  	s9 =	sadd.s32 $0xFFFFFEF7, lr;
	s5 =	simm.s32 $0xFFFFFFFF;
	p2 =	slt.u32 s8, $0xFFFFF086  }
0x1c: {  	p1 =	slt.u32 s9, $0xF7A;
	s5 =	simm.s32 @!p2 $0x0  }
0x1d: {  	s5 =	simm.s32 @p1 $0x1;
	p0 =	seq.s32 s7, s2  }
0x1e: {  	s7 =	smul.u32 @!p0 $0xF7A, s2;
	p2 =	seq.s32 @!p0 s5, $0x0  }
0x1f: {  	s9 =	smul.u32 $0xF7A, s1;
	s8 =	simm.s32 @!p0 $0x1BF5;
	p2 =	por !p2, p0  }
0x20: {  	[sflag:s8] =	ssyncset.s32 @!p0 $0xFFFFF086;
	s6 =	sadd.s32 @!p0 s3, s7;
	s7 =	simm.s32 @!p0 $0x108  }
0x21: {  	s3 =	sadd.s32 s3, s9;
	s6 =	sadd.s32 @!p0 $0x88, s6;
	s7 =	simm.s32 @p2 $0x1082  }
0x22: {  	[simem:s7], [sflag:s8] =	dma.local @!p0 [hbm:s6], $0xF7A  }
0x23: {  	s9 =	sor.u32 $0xD0000000, s2;
	s6 =	simm.s32 $0x108;
	_ =	swait.ge @!p0 [sflag:s8], $0x0  }
0x24: {  	s3 =	sadd.s32 $0x88, s3;
	s6 =	simm.s32 @!p1 $0x1082;
	[sflag:s4] =	ssyncset.s32 $0xFFFFF086  }
0x25: {  	[simem:s6], [sflag:s4] =	dma.local [hbm:s3], $0xF7A  }
0x26: {  	[smem:$0x3F83] =	sst s1;
	(tag) =	ssettag s2;
	_ =	strace s9  }
0x27: {  	s1 =	sld [smem:$0x3F93]  }
0x28: {  	s2 =	sld [smem:$0x3F94]  }
0x29: {  	s4 =	sld [smem:$0x3F96]  }
0x2a: {  	p0 =	seq.s32 s5, $0x0;
	s5 =	sld [smem:$0x3F97]  }
0x2b: {  	s6 =	sld [smem:$0x3F98]  }
0x2c: {  	s7 =	sld [smem:$0x3F99]  }
0x2d: {  	s3 =	simm.s32 $0x108;
	s8 =	sld [smem:$0x3F9A]  }
0x2e: {  	s3 =	simm.s32 @!p0 $0x1082;
	s9 =	sld [smem:$0x3F9B]  }
0x2f: {  	lr =	sadd.s32 s0, s3;
	s0 =	sld [smem:$0x3F92]  }
0x30: {  	s3 =	sld [smem:$0x3F95]  }
0x31: {  	[smem:$0x3F9E] =	sst s10  }
0x32: {  	s10 =	sld [smem:$0x3F9C];
	_ =	sdelay $0x3  }
0x33: {  	p0 =	seq.s32 s10, $0x1;
	s10 =	sld [smem:$0x3F9E];
	_ =	sdelay $0x3  }
0x34: {  	[smem:$0x3F9E] =	sst s10  }
0x35: {  	s10 =	sld [smem:$0x3F9D];
	_ =	sdelay $0x3  }
0x36: {  	p1 =	seq.s32 s10, $0x1;
	s10 =	sld [smem:$0x3F9E];
	_ =	sdelay $0x3  }
0x37: {  	[smem:$0x3F9E] =	sst s10  }
0x38: {  	s10 =	sld [smem:$0x3F9F]  }
0x39: {  	_ = 	snop;
	(pc) =	sbr.ind lr, $3  }
0x3a: {  	_ = 	snop  }
0x3b: {  	_ = 	snop  }
0x3c: {  	p2 =	seq.s32 s10, $0x1;
	s10 =	sld [smem:$0x3F9E]  }
0x3d: {  	_ =	shalt  }
0x3e: {  	_ =	shalt  }
0x3f: {  	_ =	shalt  }
0x40: {  	_ =	shalt  }
0x41: {  	_ =	shalt  }
0x42: {  	_ =	shalt  }
0x43: {  	_ =	shalt  }
0x44: {  	_ =	shalt  }
0x45: {  	_ =	shalt  }
0x46: {  	_ =	shalt  }
0x47: {  	_ =	shalt  }
0x48: {  	_ =	shalt  }
0x49: {  	_ =	shalt  }
0x4a: {  	_ =	shalt  }
0x4b: {  	_ =	shalt  }
0x4c: {  	_ =	shalt  }
0x4d: {  	_ =	shalt  }
0x4e: {  	_ =	shalt  }
0x4f: {  	_ =	shalt  }
0x50: {  	_ =	shalt  }
0x51: {  	_ =	shalt  }
0x52: {  	_ =	shalt  }
0x53: {  	_ =	shalt  }
0x54: {  	_ =	shalt  }
0x55: {  	_ =	shalt  }
0x56: {  	_ =	shalt  }
0x57: {  	_ =	shalt  }
0x58: {  	_ =	shalt  }
0x59: {  	_ =	shalt  }
0x5a: {  	_ =	shalt  }
0x5b: {  	_ =	shalt  }
0x5c: {  	_ =	shalt  }
0x5d: {  	_ =	shalt  }
0x5e: {  	_ =	shalt  }
0x5f: {  	_ =	shalt  }
0x60: {  	_ =	shalt  }
0x61: {  	_ =	shalt  }
0x62: {  	_ =	shalt  }
0x63: {  	_ =	shalt  }
0x64: {  	_ =	shalt  }
0x65: {  	_ =	shalt  }
0x66: {  	_ =	shalt  }
0x67: {  	_ =	shalt  }
0x68: {  	_ =	shalt  }
0x69: {  	_ =	shalt  }
0x6a: {  	_ =	shalt  }
0x6b: {  	_ =	shalt  }
0x6c: {  	_ =	shalt  }
0x6d: {  	_ =	shalt  }
0x6e: {  	_ =	shalt  }
0x6f: {  	_ =	shalt  }
0x70: {  	_ =	shalt  }
0x71: {  	_ =	shalt  }
0x72: {  	_ =	shalt  }
0x73: {  	_ =	shalt  }
0x74: {  	_ =	shalt  }
0x75: {  	_ =	shalt  }
0x76: {  	_ =	shalt  }
0x77: {  	_ =	shalt  }
0x78: {  	_ =	shalt  }
0x79: {  	_ =	shalt  }
0x7a: {  	_ =	shalt  }
0x7b: {  	_ =	shalt  }
0x7c: {  	_ =	shalt  }
0x7d: {  	_ =	shalt  }
0x7e: {  	_ =	shalt  }
0x7f: {  	_ =	shalt  }
0x80: {  	_ =	shalt  }
0x81: {  	_ =	shalt  }
0x82: {  	_ =	shalt  }
0x83: {  	_ =	shalt  }
0x84: {  	_ =	shalt  }
0x85: {  	_ =	shalt  }
0x86: {  	_ =	shalt  }
0x87: {  	_ =	shalt  }
.Lfunc_end0:
.L_simem_size_0:
called_computation_lowered:
.L_overlay_start_0:
0x88: {  	s2 =	sld [smem:$0x3FD9]  }
0x89: {  	s3 =	sld [smem:$0x3FFE];
	_ =	sdelay $0x1  }
0x8a: {  	s1 =	srdreg.scid  }
0x8b: {  	s0 =	sand.u32 $0x1, s1  }
0x8c: {  	s14 =	sshll.u32 s0, $0xA;
	s2 =	sadd.s32 s3, s2  }
0x8d: {  	s2 =	sadd.s32 s2, s14  }
0x8e: {  	[smem:$0x3FAA] =	sst s2  }
0x8f: {  	_ = 	snop  }
0x90: {  	s2 =	sld [smem:$0x3FD0];
	_ =	sdelay $0x2  }
0x91: {  	s4 =	simm.s32 $0xA;
	s5 =	simm.s32 $0x10;
	s15 =	sld [smem:$0x3FBA]  }
0x92: {  	[smem:s5], [sflag:s4] =	dma.local [hbm:s2], $0x1  }
0x93: {  	_ =	swait.eq [sflag:s4], $0x1  }
0x94: {  	[sflag:s4] =	ssyncset.done $0x0  }
0x95: {  	[sflag:s4] =	ssyncadd.s32 $0xFFFFFFFF  }
0x96: {  	s16 =	sld [smem:$0x10];
	(tm) =	ssettm $0x1  }
0x97: {  	s17 =	sld [smem:$0x3FFB];
	_ =	sdelay $0x3  }
0x98: {  	_ =	strace s17  }
0x99: {  	s4 =	sld [smem:$0x3FFC];
	_ =	sdelay $0x3  }
0x9a: {  	_ =	strace s4  }
0x9b: {  	s4 =	sld [smem:$0x3FFD];
	_ =	sdelay $0x3  }
0x9c: {  	_ =	strace s4  }
0x9d: {  	_ =	strace $0x8FFFFFFF  }
0x9e: {  	s18 =	sld [smem:$0x3FDB];
	_ =	sdelay $0x1  }
0x9f: {  	s19 =	simm.s32 $_scs_section_size  }
0xa0: {  	s6 =	simm.s32 $_size__tile_overlayer_lowered;
	s7 =	simm.s32 $_tile_overlayer_lowered  }
0xa1: {  	s22 =	simm.s32 $0x1BFF;
	s21 =	sshll.u32 s7, $0x1;
	s4 =	sadd.s32 s19, s18  }
0xa2: {  	s8 =	simm.s32 $0x0;
	s20 =	sshll.u32 s6, $0x1;
	s6 =	sadd.s32 s21, s4  }
0xa3: {  	[timem:s8], [sflag:s22] =	dma.local [hbm:s6], s20  }
0xa4: {  	_ =	swait.ge [sflag:s22], s20  }
0xa5: {  	s5 =	ssub.s32 $0x0, s20;
	[sflag:s22] =	ssyncset.done $0x0  }
0xa6: {  	[sflag:s22] =	ssyncadd.s32 s5;
	_ =	sdelay $0x1  }
0xa7: {  	s23 =	simm.s32 $0x1B8B  }
0xa8: {  	_ =	swait.ge [sflag:s23], $0x1  }
0xa9: {  	[sflag:s23] =	ssyncset.done $0x0  }
0xaa: {  	s25 =	simm.s32 $0x1B8E;
	s24 =	sld [smem:$0x3FFE];
	[sflag:s23] =	ssyncadd.s32 $0xFFFFFFFF  }
0xab: {  	s26 =	simm.s32 $execute0_lowered;
	[smem:$0x3FD2] =	sst s25  }
0xac: {  	s6 =	sshll.u32 s26, $0x1;
	_ =	strace $0x80000046;
	[dreg:$0x1] =	wrdreg $0xFFFFFFFF  }
0xad: {  	s28 =	simm.s32 $_size_execute0_lowered;
	s4 =	sadd.s32 s4, s6;
	[dreg:$0x0] =	wrdreg $0x0  }
0xae: {  	s6 =	sshll.u32 s28, $0x1;
	[dreg:$0x2] =	wrdreg s4  }
0xaf: {  	[dreg:$0x3] =	wrdreg s6  }
0xb0: {  	[dreg:$0x4] =	wrdreg $0xC0  }
0xb1: {  	_ =	task [dreg:s8], $0x5FFFF  }
0xb2: {  	[dreg:$0x1] =	wrdreg $0xFFFFFFFF  }
0xb3: {  	[dreg:$0x0] =	wrdreg $0x60  }
0xb4: {  	[dreg:$0x2] =	wrdreg s15  }
0xb5: {  	[dreg:$0x3] =	wrdreg s16  }
0xb6: {  	[dreg:$0x4] =	wrdreg s24  }
0xb7: {  	[dreg:$0x5] =	wrdreg $0x9  }
0xb8: {  	_ =	task.clear_ibuf [dreg:s8], $0x6FFFF;
	_ =	strace $0x90000046  }
0xb9: {  	s29 =	simm.s32 $0x9;
	_ =	strace $0x80000048  }
0xba: {  	_ =	swait.ge [sflag:s29], $0x1  }
0xbb: {  	[sflag:s29] =	ssyncadd.s32 $0xFFFFFFFF  }
0xbc: {  	_ =	strace $0x90000048  }
0xbd: {  	_ =	sfence  }
0xbe: {  	s30 =	sld [smem:$0x0];
	_ =	sdelay $0x2  }
0xbf: {  	s31 =	sshll.u32 s1, $0xD;
	s1 =	sshrl.u32 s1, $0x2  }
0xc0: {  	s3 =	sand.u32 $0x4000, s31;
	s1 =	sadd.s32 s1, s30  }
0xc1: {  	s0 =	sor.u32 s3, s0;
	s1 =	sshll.u32 s1, $0x11  }
0xc2: {  	s0 =	sor.u32 s1, s0  }
0xc3: {  	s0 =	sadd.s32 $0x8F2B, s0  }
0xc4: {  	[sflag:s0] =	ssyncadd.remote.s32 $0x1  }
0xc5: {  	_ =	sfence.sel $0xFFFF  }
0xc6: {  	[dreg:$0x0] =	wrdreg $0xFFFFFFFF;
	(pc) =	sbr.abs _section_cstart, $3  }
0xc7: {  	[dreg:$0x1] =	wrdreg $0xFFFFFFFF  }
0xc8: {  	_ =	task.clear_ibuf [dreg:s8], $0x2FFFF;
	_ =	strace $0x9FFFFFFF  }
0xc9: {  	(tm) =	ssettm $0x7FFFFFFF  }
tec
execute0_lowered:
.L_overlay_start_1:
0x0: {  	(tag) =	ssettag $0x1  }
0x1: {  	s1 =	rddreg [dreg:$0x0]  }
0x2: {  	s2 =	srdreg.scid;
	s0 =	stileid.u32  }
0x3: {  	s4 =	rddreg [dreg:$0x1];
	s6 =	sand.u32 $0x1, s2;
	s30 =	sshll.u32 s0, $0x1  }
0x4: {  	s9 =	rddreg [dreg:$0x2];
	s3 =	simm.s32 $0x0;
	s7 =	sor.u32 s6, s30  }
0x5: {  	s8 =	simm.s32 $0x1;
	[smem:$0x7FF] =	sst s3;
	s5 =	smul.u32 $0x19, s7  }
0x6: {  	s2 =	rddreg [dreg:$0x3];
	_ =	strace $0x80000047;
	s11 =	ssub.s32 $0x2, s6  }
0x7: {  	s6 =	simm.s32 $0xC8;
	s5 =	sadd.s32 s4, s5;
	s4 =	simm.s32 $0x2  }
0x8: {  	[tilespmem:s3], [sflag:$0x2] =	stream.linear.gather [hbm4b:s5+s3], $0xC8, $0x38;
	[tilespmem:$0x6500] =	vst v63  }
0x9: {  	s10 =	smul.u32 $0xC80, s7;
	s12 =	sshrl.u32 s11, $0x1;
	_ =	swait.ge [sflag:s4], $0xC8  }
0xa: {  	s7 =	simm.s32 $0x100;
	s31 =	ssub.s32 s11, s12;
	[sflag:s4] =	ssyncset.done $0x0  }
0xb: {  	s9 =	sadd.s32 s10, s9;
	s10 =	smax.u32 s31, $0x1;
	[sflag:s4] =	ssyncadd.s32 $0xFFFFFF38  }
0xc: {  	[tilespmem:s7], [sflag:$0x1] =	stream.indirect.gather [hbm4b:s1+s6], $0x80, s3, s6, $0xb8;
	[tilespmem:$0x6500] =	vst v63  }
0xd: {  	p0 =	sne.s32 s10, $0x1;
	_ =	swait.ge [sflag:s8], $0x6400  }
.Ltmp0:
0xe: {  	[sflag:s8] =	ssyncset.done $0x0;
	(pc) =	sbr.rel @!p0 .LBB2_2-.Ltmp0, $4  }
0xf: {  	s9 =	sadd.s32 $0x4600, s9;
	[sflag:s8] =	ssyncadd.s32 $0xFFFF9C00  }
0x10: {  	[hbm4b:s9+s3] =	stream.linear.scatter [tilespmem:s7], [sflag:$0x2], $0x6400, $0x38;
	[tilespmem:$0x6500] =	vst v63  }
0x11: {  	_ =	swait.ge [sflag:s4], $0x6400  }
0x12: {  	s10 =	sadd.s32 $0xFFFFFFFF, s10;
	[sflag:s4] =	ssyncset.done $0x0  }
.LBB2_1:
0x13: {  	p0 =	sne.s32 s10, $0x1;
	s10 =	sadd.s32 $0xFFFFFFFF, s10;
	[sflag:s4] =	ssyncadd.s32 $0xFFFF9C00  }
0x14: {  	[tilespmem:s3], [sflag:$0x2] =	stream.linear.gather [hbm4b:s5+s3], $0xC8, $0x38;
	[tilespmem:$0x6500] =	vst v63  }
0x15: {  	_ =	swait.ge [sflag:s4], $0xC8  }
0x16: {  	[sflag:s4] =	ssyncset.done $0x0  }
0x17: {  	[sflag:s4] =	ssyncadd.s32 $0xFFFFFF38  }
0x18: {  	[tilespmem:s7], [sflag:$0x1] =	stream.indirect.gather [hbm4b:s1+s6], $0x80, s3, s6, $0xb8;
	[tilespmem:$0x6500] =	vst v63  }
0x19: {  	_ =	swait.ge [sflag:s8], $0x6400  }
.Ltmp1:
0x1a: {  	[sflag:s8] =	ssyncset.done $0x0;
	(pc) =	sbr.rel @p0 .LBB2_1-.Ltmp1, $4  }
0x1b: {  	[sflag:s8] =	ssyncadd.s32 $0xFFFF9C00  }
0x1c: {  	[hbm4b:s9+s3] =	stream.linear.scatter [tilespmem:s7], [sflag:$0x2], $0x6400, $0x38;
	[tilespmem:$0x6500] =	vst v63  }
0x1d: {  	_ =	swait.ge [sflag:s4], $0x6400  }
0x1e: {  	[sflag:s4] =	ssyncset.done $0x0  }
.LBB2_2:
0x1f: {  	[sflag:s4] =	ssyncadd.s32 $0xFFFF9C00  }
0x20: {  	_ =	sfence.sel $0x180000  }
0x21: {  	[bflag:$0x0] =	sbarrier.arrive $0xFFFF  }
0x22: {  	p0 =	sne.s32 s0, $0x0;
	_ =	strace $0x90000047  }
0x23: {  	s0 =	sadd.s32 @!p0 $0x100000, s2;
	[bflag:$0x2] =	sbarrier.arrive $0xFFFF  }
0x24: {  	[sflag:s0] =	ssyncadd.tile.s32 @!p0 $0x1;
	_ =	shalt  }
.Lfunc_end2:
_tile_overlayer_lowered:
.L_overlay_start_2:
0x25: {  	(tag) =	ssettag $0x2  }
0x26: {  	s0 =	rddreg [dreg:$0x0];
	s2 =	stileid.u32  }
0x27: {  	s1 =	rddreg [dreg:$0x1];
	p0 =	sne.s32 s2, $0x0  }
0x28: {  	s3 =	rddreg [dreg:$0x2];
	[bflag:$0x3] =	sbarrier.arrive $0xFFFF;
	s2 =	simm.s32 @!p0 $0x1C02  }
0x29: {  	[timem:s3], [sflag:s2] =	dma.local @!p0 [hbm:s0], s1  }
0x2a: {  	s0 =	simm.s32 @!p0 $0x2  }
0x2b: {  	_ =	swait.ge @!p0 [sflag:s0], s1  }
0x2c: {  	s1 =	ssub.s32 @!p0 $0x0, s1;
	[sflag:s0] =	ssyncset.done @!p0 $0x0  }
0x2d: {  	[sflag:s0] =	ssyncadd.s32 @!p0 s1  }
0x2e: {  	[bflag:$0x3] =	sbarrier.arrive $0xFFFF  }
0x2f: {  	_ =	shalt  }

</sc_bundles>
